<compile_context>
chip_gen: v7x
topology: tpu7x:2x2x1
jax: 0.10.2.dev20260603
libtpu: 0.0.44.dev20260713+nightly
codegen_flags: <defaults>
</compile_context>

<pallas_src>
import functools
import jax
import jax.numpy as jnp
from jax import lax
from jax.experimental import pallas as pl
from jax.experimental.pallas import tpu as pltpu
from jax.experimental.pallas import tpu_sc as plsc

NW = 32
CH_W = 32000


def _sc_body(n_words, x_hbm, out_hbm, buf, acc, sem0, sem1):
    wid = lax.axis_index("s") * 2 + lax.axis_index("c")
    words_per = n_words // NW
    base = wid * words_per
    nch = words_per // CH_W
    acc[...] = jnp.zeros((16,), jnp.float32)

    def start(g, b, sem):
        return pltpu.async_copy(x_hbm.at[pl.ds(base + g * CH_W, CH_W)],
                                buf.at[b], sem)

    def process(b):
        def inner(j, carry):
            o = j * 128
            return tuple(carry[k] + buf[b, pl.ds(o + k * 16, 16)]
                         for k in range(8))
        z = jnp.zeros((16,), jnp.float32)
        parts = lax.fori_loop(0, CH_W // 128, inner, (z,) * 8)
        acc[...] += sum(parts[1:], parts[0])

    start(0, 0, sem0)
    npairs = nch // 2

    def outer(g2, _):
        g = g2 * 2
        start(g + 1, 1, sem1)
        pltpu.make_async_copy(x_hbm.at[pl.ds(0, CH_W)], buf.at[0], sem0).wait()
        process(0)

        @pl.when(g2 + 1 < npairs)
        def _():
            start(g + 2, 0, sem0)
        pltpu.make_async_copy(x_hbm.at[pl.ds(0, CH_W)], buf.at[1], sem1).wait()
        process(1)
        return 0

    lax.fori_loop(0, npairs, outer, 0)
    pltpu.sync_copy(acc, out_hbm.at[wid])


def kernel(logits, labels):
    n, c = logits.shape
    xf = logits.reshape(n * c)
    mesh = plsc.VectorSubcoreMesh(core_axis_name="c", subcore_axis_name="s")
    out = pl.kernel(
        functools.partial(_sc_body, n * c),
        mesh=mesh,
        out_type=jax.ShapeDtypeStruct((NW, 16), jnp.float32),
        scratch_types=[
            pltpu.VMEM((2, CH_W), jnp.float32),
            pltpu.VMEM((16,), jnp.float32),
            pltpu.SemaphoreType.DMA,
            pltpu.SemaphoreType.DMA,
        ],
    )(xf)
    return jnp.sum(out)

# --- scband reference (transcript-rebuilt; emitter-appended) ---
"""Pipeline reference for scband-aeceloss-90065464197282 (READ-ONLY COPY).

The authoritative reference and input builder live on the scoring server;
editing this copy changes nothing except your own understanding.
"""

import jax, jax.numpy as jnp
import numpy as np

N = 65536
C = 1000
N_BINS = 15
SAMPLE_THRESHOLD = 1


def setup_inputs(seed: int = 0) -> dict:
    key = jax.random.key(seed)
    k1, k2 = jax.random.split(key)
    logits = jax.random.normal(k1, (N, C), dtype=jnp.float32)
    labels = jax.random.randint(k2, (N,), 0, C, dtype=jnp.int64)
    return {"logits": logits, "labels": labels}


def reference(logits, labels):
    # softmax over classes (torch: F.softmax(logits, dim=1))
    probs = jax.nn.softmax(logits, axis=1)
    # prepare(): clip for numerical stability
    eps = jnp.finfo(probs.dtype).eps
    probs = jnp.clip(probs, eps, 1.0 - eps)
    matched = (jnp.argmax(probs, axis=1) == labels).astype(jnp.float32)
    conf = jnp.max(probs, axis=1)
    # binning(): fixed-width bins over [0, 1], edges = linspace(0,1,n_bins+1)
    bin_idx = jnp.clip(jnp.floor(conf * N_BINS).astype(jnp.int32), 0, N_BINS - 1)
    counts = jax.ops.segment_sum(jnp.ones_like(conf), bin_idx, num_segments=N_BINS)
    sum_acc = jax.ops.segment_sum(matched, bin_idx, num_segments=N_BINS)
    sum_conf = jax.ops.segment_sum(conf, bin_idx, num_segments=N_BINS)
    # per-bin means; bins with counts < sample_threshold -> nan -> 0
    valid = counts >= SAMPLE_THRESHOLD
    safe_counts = jnp.maximum(counts, 1.0)
    acc_hist = jnp.where(valid, sum_acc / safe_counts, 0.0)
    conf_hist = jnp.where(valid, sum_conf / safe_counts, 0.0)
    # process(): deviation map is 1-D here, so axis-0 reductions are scalars
    deviation_map = jnp.abs(acc_hist - conf_hist)
    reduced_deviation = jnp.sum(deviation_map)
    non_empty_bins = jnp.sum((counts != 0).astype(jnp.float32))
    bin_map = jnp.where(non_empty_bins != 0,
                        reduced_deviation / jnp.where(non_empty_bins != 0, non_empty_bins, 1.0),
                        0.0)
    # np.count_nonzero(np.sum(num_samples_hist, axis=0)) on a scalar total -> 1 if N > 0
    total_samples = jnp.sum(counts)
    denom = (total_samples != 0).astype(jnp.float32)
    miscalibration = jnp.where(denom != 0, bin_map / jnp.maximum(denom, 1.0), 0.0)
    return miscalibration

if __name__ == "__main__":
    import jax
    _d = setup_inputs()
    print(jax.jit(kernel)(*tuple(_d.values())))

</pallas_src>

<mosaic_0001>
#map = affine_map<(d0, d1) -> (0)>
#map1 = affine_map<(d0, d1) -> (0, 0)>
module attributes {stable_mosaic.version = 14 : i64} {
  func.func @_sc_body(%arg0: i32, %arg1: i32, %arg2: memref<65536000xf32, #tpu.memory_space<hbm>>, %arg3: memref<32x16xf32, #tpu.memory_space<hbm>>, %arg4: memref<2x32000xf32, #tpu.memory_space<vmem>>, %arg5: memref<16xf32, #tpu.memory_space<vmem>>, %arg6: memref<!tpu.dma_semaphore, #tpu.memory_space<semaphore_mem>>, %arg7: memref<!tpu.dma_semaphore, #tpu.memory_space<semaphore_mem>>) attributes {dimension_semantics = [#tpu.dimension_semantics<core_parallel>, #tpu.dimension_semantics<subcore_parallel>], iteration_bounds = array<i64: 2, 16>, scalar_prefetch = 0 : i64, scratch_operands = 4 : i64, tpu.core_type = #tpu.core_type<sc_vector_subcore>, window_params = [{transform_indices = #map}, {transform_indices = #map1}]} {
    %mul3A = arith.constant 2 : i32
    %mul3A_0 = arith.muli %arg1, %mul3A : i32
    %add3A = arith.addi %mul3A_0, %arg0 : i32
    %mul3A_1 = arith.constant 2048000 : i32
    %mul3A_2 = arith.muli %add3A, %mul3A_1 : i32
    %broadcast_in_dim3A = arith.constant 0.000000e+00 : f32
    %broadcast_in_dim3A_3 = vector.broadcast %broadcast_in_dim3A : f32 to vector<16xf32>
    %swap3A = arith.constant 0 : index
    %swap3A_4 = tpu.vector_load %arg5[%swap3A] {strides = array<i32>} : memref<16xf32, #tpu.memory_space<vmem>>, vector<16xf32>,
    %swap3A_5 = vector.shape_cast %swap3A_4 : vector<16xf32> to vector<16xf32>
    %swap3A_6 = vector.shape_cast %broadcast_in_dim3A_3 : vector<16xf32> to vector<16xf32>
    tpu.vector_store %arg5[%swap3A], %swap3A_6 {strides = array<i32>} : memref<16xf32, #tpu.memory_space<vmem>>, vector<16xf32>,
    %add3A_7 = arith.constant 0 : i32
    %add3A_8 = arith.addi %mul3A_2, %add3A_7 : i32
    %dma_start3A = arith.constant 0 : i32
    %dma_start3A_9 = arith.constant 0 : i32
    %dma_start3A_10 = tpu.memref_slice %arg4[%dma_start3A, %dma_start3A_9] : memref<2x32000xf32, #tpu.memory_space<vmem>> -> memref<1x32000xf32, #tpu.memory_space<vmem>>
    %dma_start3A_11 = tpu.memref_squeeze %dma_start3A_10 : memref<1x32000xf32, #tpu.memory_space<vmem>> -> memref<32000xf32, #tpu.memory_space<vmem>>
    %dma_start3A_12 = tpu.memref_slice %arg2[%add3A_8] : memref<65536000xf32, #tpu.memory_space<hbm>> -> memref<32000xf32, #tpu.memory_space<hbm>>
    %dma_start3A_13 = arith.constant 0 : i32
    %dma_start3A_14 = tpu.memref_slice %arg4[%dma_start3A, %dma_start3A_13] : memref<2x32000xf32, #tpu.memory_space<vmem>> -> memref<1x32000xf32, #tpu.memory_space<vmem>>
    %dma_start3A_15 = tpu.memref_squeeze %dma_start3A_14 : memref<1x32000xf32, #tpu.memory_space<vmem>> -> memref<32000xf32, #tpu.memory_space<vmem>>
    %dma_start3A_16 = tpu.memref_slice %arg2[%add3A_8] : memref<65536000xf32, #tpu.memory_space<hbm>> -> memref<32000xf32, #tpu.memory_space<hbm>>
    tpu.enqueue_dma source(%dma_start3A_16 : memref<32000xf32, #tpu.memory_space<hbm>>) target(%dma_start3A_15 : memref<32000xf32, #tpu.memory_space<vmem>>) target_semaphore(%arg6 : memref<!tpu.dma_semaphore, #tpu.memory_space<semaphore_mem>>)
    %scan3A = arith.constant 0 : i32
    %scan3A_17 = arith.constant 0 : i32
    %scan3A_18 = arith.constant 32 : i32
    %scan3A_19 = arith.addi %scan3A_17, %scan3A_18 : i32
    %scan3A_20 = arith.constant 1 : i32
    %scan3A_21 = scf.for %scan3A_23 = %scan3A_17 to %scan3A_19 step %scan3A_20 iter_args(%scan3A_24 = %scan3A) -> (i32)  : i32 {
      %mul3A_25 = arith.constant 2 : i32
      %mul3A_26 = arith.muli %scan3A_23, %mul3A_25 : i32
      %add3A_27 = arith.constant 1 : i32
      %add3A_28 = arith.addi %mul3A_26, %add3A_27 : i32
      %mul3A_29 = arith.constant 32000 : i32
      %mul3A_30 = arith.muli %add3A_28, %mul3A_29 : i32
      %add3A_31 = arith.addi %mul3A_2, %mul3A_30 : i32
      %dma_start3A_32 = arith.constant 1 : i32
      %dma_start3A_33 = arith.constant 0 : i32
      %dma_start3A_34 = tpu.memref_slice %arg4[%dma_start3A_32, %dma_start3A_33] : memref<2x32000xf32, #tpu.memory_space<vmem>> -> memref<1x32000xf32, #tpu.memory_space<vmem>>
      %dma_start3A_35 = tpu.memref_squeeze %dma_start3A_34 : memref<1x32000xf32, #tpu.memory_space<vmem>> -> memref<32000xf32, #tpu.memory_space<vmem>>
      %dma_start3A_36 = tpu.memref_slice %arg2[%add3A_31] : memref<65536000xf32, #tpu.memory_space<hbm>> -> memref<32000xf32, #tpu.memory_space<hbm>>
      %dma_start3A_37 = arith.constant 0 : i32
      %dma_start3A_38 = tpu.memref_slice %arg4[%dma_start3A_32, %dma_start3A_37] : memref<2x32000xf32, #tpu.memory_space<vmem>> -> memref<1x32000xf32, #tpu.memory_space<vmem>>
      %dma_start3A_39 = tpu.memref_squeeze %dma_start3A_38 : memref<1x32000xf32, #tpu.memory_space<vmem>> -> memref<32000xf32, #tpu.memory_space<vmem>>
      %dma_start3A_40 = tpu.memref_slice %arg2[%add3A_31] : memref<65536000xf32, #tpu.memory_space<hbm>> -> memref<32000xf32, #tpu.memory_space<hbm>>
      tpu.enqueue_dma source(%dma_start3A_40 : memref<32000xf32, #tpu.memory_space<hbm>>) target(%dma_start3A_39 : memref<32000xf32, #tpu.memory_space<vmem>>) target_semaphore(%arg7 : memref<!tpu.dma_semaphore, #tpu.memory_space<semaphore_mem>>)
      %dma_wait3A = arith.constant 0 : i32
      %dma_wait3A_41 = arith.constant 0 : i32
      %dma_wait3A_42 = tpu.memref_slice %arg4[%dma_wait3A, %dma_wait3A_41] : memref<2x32000xf32, #tpu.memory_space<vmem>> -> memref<1x32000xf32, #tpu.memory_space<vmem>>
      %dma_wait3A_43 = tpu.memref_squeeze %dma_wait3A_42 : memref<1x32000xf32, #tpu.memory_space<vmem>> -> memref<32000xf32, #tpu.memory_space<vmem>>
      %dma_wait3A_44 = arith.constant 0 : i32
      %dma_wait3A_45 = tpu.memref_slice %arg2[%dma_wait3A_44] : memref<65536000xf32, #tpu.memory_space<hbm>> -> memref<32000xf32, #tpu.memory_space<hbm>>
      %dma_wait3A_46 = arith.constant 0 : i32
      %dma_wait3A_47 = tpu.memref_slice %arg4[%dma_wait3A, %dma_wait3A_46] : memref<2x32000xf32, #tpu.memory_space<vmem>> -> memref<1x32000xf32, #tpu.memory_space<vmem>>
      %dma_wait3A_48 = tpu.memref_squeeze %dma_wait3A_47 : memref<1x32000xf32, #tpu.memory_space<vmem>> -> memref<32000xf32, #tpu.memory_space<vmem>>
      %dma_wait3A_49 = arith.constant 0 : i32
      %dma_wait3A_50 = tpu.memref_slice %arg2[%dma_wait3A_49] : memref<65536000xf32, #tpu.memory_space<hbm>> -> memref<32000xf32, #tpu.memory_space<hbm>>
      tpu.wait_dma2 semaphore(%arg6 : memref<!tpu.dma_semaphore, #tpu.memory_space<semaphore_mem>>) src(%dma_wait3A_50 : memref<32000xf32, #tpu.memory_space<hbm>>) dst(%dma_wait3A_48 : memref<32000xf32, #tpu.memory_space<vmem>>)
      %broadcast_in_dim3A_51 = arith.constant 0.000000e+00 : f32
      %broadcast_in_dim3A_52 = vector.broadcast %broadcast_in_dim3A_51 : f32 to vector<16xf32>
      %scan3A_53 = arith.constant 0 : i32
      %scan3A_54 = arith.constant 250 : i32
      %scan3A_55 = arith.addi %scan3A_53, %scan3A_54 : i32
      %scan3A_56 = arith.constant 1 : i32
      %scan3A_57:8 = scf.for %scan3A_112 = %scan3A_53 to %scan3A_55 step %scan3A_56 iter_args(%scan3A_113 = %broadcast_in_dim3A_52, %scan3A_114 = %broadcast_in_dim3A_52, %scan3A_115 = %broadcast_in_dim3A_52, %scan3A_116 = %broadcast_in_dim3A_52, %scan3A_117 = %broadcast_in_dim3A_52, %scan3A_118 = %broadcast_in_dim3A_52, %scan3A_119 = %broadcast_in_dim3A_52, %scan3A_120 = %broadcast_in_dim3A_52) -> (vector<16xf32>, vector<16xf32>, vector<16xf32>, vector<16xf32>, vector<16xf32>, vector<16xf32>, vector<16xf32>, vector<16xf32>)  : i32 {
        %mul3A_121 = arith.constant 128 : i32
        %mul3A_122 = arith.muli %scan3A_112, %mul3A_121 : i32
        %add3A_123 = arith.constant 0 : i32
        %add3A_124 = arith.addi %mul3A_122, %add3A_123 : i32
        %get3A_125 = arith.constant 0 : i32
        %get3A_126 = arith.index_cast %get3A_125 : i32 to index
        %get3A_127 = arith.index_cast %add3A_124 : i32 to index
        %get3A_128 = tpu.vector_load %arg4[%get3A_126, %get3A_127] {strides = array<i32>} : memref<2x32000xf32, #tpu.memory_space<vmem>>, vector<1x16xf32>,
        %get3A_129 = vector.shape_cast %get3A_128 : vector<1x16xf32> to vector<16xf32>
        %add3A_130 = arith.addf %scan3A_113, %get3A_129 : vector<16xf32>
        %add3A_131 = arith.constant 16 : i32
        %add3A_132 = arith.addi %mul3A_122, %add3A_131 : i32
        %get3A_133 = arith.constant 0 : i32
        %get3A_134 = arith.index_cast %get3A_133 : i32 to index
        %get3A_135 = arith.index_cast %add3A_132 : i32 to index
        %get3A_136 = tpu.vector_load %arg4[%get3A_134, %get3A_135] {strides = array<i32>} : memref<2x32000xf32, #tpu.memory_space<vmem>>, vector<1x16xf32>,
        %get3A_137 = vector.shape_cast %get3A_136 : vector<1x16xf32> to vector<16xf32>
        %add3A_138 = arith.addf %scan3A_114, %get3A_137 : vector<16xf32>
        %add3A_139 = arith.constant 32 : i32
        %add3A_140 = arith.addi %mul3A_122, %add3A_139 : i32
        %get3A_141 = arith.constant 0 : i32
        %get3A_142 = arith.index_cast %get3A_141 : i32 to index
        %get3A_143 = arith.index_cast %add3A_140 : i32 to index
        %get3A_144 = tpu.vector_load %arg4[%get3A_142, %get3A_143] {strides = array<i32>} : memref<2x32000xf32, #tpu.memory_space<vmem>>, vector<1x16xf32>,
        %get3A_145 = vector.shape_cast %get3A_144 : vector<1x16xf32> to vector<16xf32>
        %add3A_146 = arith.addf %scan3A_115, %get3A_145 : vector<16xf32>
        %add3A_147 = arith.constant 48 : i32
        %add3A_148 = arith.addi %mul3A_122, %add3A_147 : i32
        %get3A_149 = arith.constant 0 : i32
        %get3A_150 = arith.index_cast %get3A_149 : i32 to index
        %get3A_151 = arith.index_cast %add3A_148 : i32 to index
        %get3A_152 = tpu.vector_load %arg4[%get3A_150, %get3A_151] {strides = array<i32>} : memref<2x32000xf32, #tpu.memory_space<vmem>>, vector<1x16xf32>,
        %get3A_153 = vector.shape_cast %get3A_152 : vector<1x16xf32> to vector<16xf32>
        %add3A_154 = arith.addf %scan3A_116, %get3A_153 : vector<16xf32>
        %add3A_155 = arith.constant 64 : i32
        %add3A_156 = arith.addi %mul3A_122, %add3A_155 : i32
        %get3A_157 = arith.constant 0 : i32
        %get3A_158 = arith.index_cast %get3A_157 : i32 to index
        %get3A_159 = arith.index_cast %add3A_156 : i32 to index
        %get3A_160 = tpu.vector_load %arg4[%get3A_158, %get3A_159] {strides = array<i32>} : memref<2x32000xf32, #tpu.memory_space<vmem>>, vector<1x16xf32>,
        %get3A_161 = vector.shape_cast %get3A_160 : vector<1x16xf32> to vector<16xf32>
        %add3A_162 = arith.addf %scan3A_117, %get3A_161 : vector<16xf32>
        %add3A_163 = arith.constant 80 : i32
        %add3A_164 = arith.addi %mul3A_122, %add3A_163 : i32
        %get3A_165 = arith.constant 0 : i32
        %get3A_166 = arith.index_cast %get3A_165 : i32 to index
        %get3A_167 = arith.index_cast %add3A_164 : i32 to index
        %get3A_168 = tpu.vector_load %arg4[%get3A_166, %get3A_167] {strides = array<i32>} : memref<2x32000xf32, #tpu.memory_space<vmem>>, vector<1x16xf32>,
        %get3A_169 = vector.shape_cast %get3A_168 : vector<1x16xf32> to vector<16xf32>
        %add3A_170 = arith.addf %scan3A_118, %get3A_169 : vector<16xf32>
        %add3A_171 = arith.constant 96 : i32
        %add3A_172 = arith.addi %mul3A_122, %add3A_171 : i32
        %get3A_173 = arith.constant 0 : i32
        %get3A_174 = arith.index_cast %get3A_173 : i32 to index
        %get3A_175 = arith.index_cast %add3A_172 : i32 to index
        %get3A_176 = tpu.vector_load %arg4[%get3A_174, %get3A_175] {strides = array<i32>} : memref<2x32000xf32, #tpu.memory_space<vmem>>, vector<1x16xf32>,
        %get3A_177 = vector.shape_cast %get3A_176 : vector<1x16xf32> to vector<16xf32>
        %add3A_178 = arith.addf %scan3A_119, %get3A_177 : vector<16xf32>
        %add3A_179 = arith.constant 112 : i32
        %add3A_180 = arith.addi %mul3A_122, %add3A_179 : i32
        %get3A_181 = arith.constant 0 : i32
        %get3A_182 = arith.index_cast %get3A_181 : i32 to index
        %get3A_183 = arith.index_cast %add3A_180 : i32 to index
        %get3A_184 = tpu.vector_load %arg4[%get3A_182, %get3A_183] {strides = array<i32>} : memref<2x32000xf32, #tpu.memory_space<vmem>>, vector<1x16xf32>,
        %get3A_185 = vector.shape_cast %get3A_184 : vector<1x16xf32> to vector<16xf32>
        %add3A_186 = arith.addf %scan3A_120, %get3A_185 : vector<16xf32>
        scf.yield %add3A_130, %add3A_138, %add3A_146, %add3A_154, %add3A_162, %add3A_170, %add3A_178, %add3A_186 : vector<16xf32>, vector<16xf32>, vector<16xf32>, vector<16xf32>, vector<16xf32>, vector<16xf32>, vector<16xf32>, vector<16xf32>
      }
      %scan3A_58 = arith.constant 250 : i32
      %get3A = arith.constant 0 : index
      %get3A_59 = tpu.vector_load %arg5[%get3A] {strides = array<i32>} : memref<16xf32, #tpu.memory_space<vmem>>, vector<16xf32>,
      %get3A_60 = vector.shape_cast %get3A_59 : vector<16xf32> to vector<16xf32>
      %add3A_61 = arith.addf %scan3A_57#0, %scan3A_57#1 : vector<16xf32>
      %add3A_62 = arith.addf %add3A_61, %scan3A_57#2 : vector<16xf32>
      %add3A_63 = arith.addf %add3A_62, %scan3A_57#3 : vector<16xf32>
      %add3A_64 = arith.addf %add3A_63, %scan3A_57#4 : vector<16xf32>
      %add3A_65 = arith.addf %add3A_64, %scan3A_57#5 : vector<16xf32>
      %add3A_66 = arith.addf %add3A_65, %scan3A_57#6 : vector<16xf32>
      %add3A_67 = arith.addf %add3A_66, %scan3A_57#7 : vector<16xf32>
      %add3A_68 = arith.addf %get3A_60, %add3A_67 : vector<16xf32>
      %swap3A_69 = arith.constant 0 : index
      %swap3A_70 = tpu.vector_load %arg5[%swap3A_69] {strides = array<i32>} : memref<16xf32, #tpu.memory_space<vmem>>, vector<16xf32>,
      %swap3A_71 = vector.shape_cast %swap3A_70 : vector<16xf32> to vector<16xf32>
      %swap3A_72 = vector.shape_cast %add3A_68 : vector<16xf32> to vector<16xf32>
      tpu.vector_store %arg5[%swap3A_69], %swap3A_72 {strides = array<i32>} : memref<16xf32, #tpu.memory_space<vmem>>, vector<16xf32>,
      %add3A_73 = arith.constant 1 : i32
      %add3A_74 = arith.addi %scan3A_23, %add3A_73 : i32
      %lt3A = arith.constant 32 : i32
      %lt3A_75 = arith.cmpi slt, %add3A_74, %lt3A : i32
      %convert_element_type3A = arith.extui %lt3A_75 : i1 to i32
      %cond3A = arith.constant 0 : i32
      %cond3A_76 = arith.cmpi ne, %convert_element_type3A, %cond3A : i32
      scf.if %cond3A_76 {
        %add3A_112 = arith.constant 2 : i32
        %add3A_113 = arith.addi %mul3A_26, %add3A_112 : i32
        %mul3A_114 = arith.constant 32000 : i32
        %mul3A_115 = arith.muli %add3A_113, %mul3A_114 : i32
        %add3A_116 = arith.addi %mul3A_2, %mul3A_115 : i32
        %dma_start3A_117 = arith.constant 0 : i32
        %dma_start3A_118 = arith.constant 0 : i32
        %dma_start3A_119 = tpu.memref_slice %arg4[%dma_start3A_117, %dma_start3A_118] : memref<2x32000xf32, #tpu.memory_space<vmem>> -> memref<1x32000xf32, #tpu.memory_space<vmem>>
        %dma_start3A_120 = tpu.memref_squeeze %dma_start3A_119 : memref<1x32000xf32, #tpu.memory_space<vmem>> -> memref<32000xf32, #tpu.memory_space<vmem>>
        %dma_start3A_121 = tpu.memref_slice %arg2[%add3A_116] : memref<65536000xf32, #tpu.memory_space<hbm>> -> memref<32000xf32, #tpu.memory_space<hbm>>
        %dma_start3A_122 = arith.constant 0 : i32
        %dma_start3A_123 = tpu.memref_slice %arg4[%dma_start3A_117, %dma_start3A_122] : memref<2x32000xf32, #tpu.memory_space<vmem>> -> memref<1x32000xf32, #tpu.memory_space<vmem>>
        %dma_start3A_124 = tpu.memref_squeeze %dma_start3A_123 : memref<1x32000xf32, #tpu.memory_space<vmem>> -> memref<32000xf32, #tpu.memory_space<vmem>>
        %dma_start3A_125 = tpu.memref_slice %arg2[%add3A_116] : memref<65536000xf32, #tpu.memory_space<hbm>> -> memref<32000xf32, #tpu.memory_space<hbm>>
        tpu.enqueue_dma source(%dma_start3A_125 : memref<32000xf32, #tpu.memory_space<hbm>>) target(%dma_start3A_124 : memref<32000xf32, #tpu.memory_space<vmem>>) target_semaphore(%arg6 : memref<!tpu.dma_semaphore, #tpu.memory_space<semaphore_mem>>)
      } else {
      }
      %dma_wait3A_77 = arith.constant 1 : i32
      %dma_wait3A_78 = arith.constant 0 : i32
      %dma_wait3A_79 = tpu.memref_slice %arg4[%dma_wait3A_77, %dma_wait3A_78] : memref<2x32000xf32, #tpu.memory_space<vmem>> -> memref<1x32000xf32, #tpu.memory_space<vmem>>
      %dma_wait3A_80 = tpu.memref_squeeze %dma_wait3A_79 : memref<1x32000xf32, #tpu.memory_space<vmem>> -> memref<32000xf32, #tpu.memory_space<vmem>>
      %dma_wait3A_81 = arith.constant 0 : i32
      %dma_wait3A_82 = tpu.memref_slice %arg2[%dma_wait3A_81] : memref<65536000xf32, #tpu.memory_space<hbm>> -> memref<32000xf32, #tpu.memory_space<hbm>>
      %dma_wait3A_83 = arith.constant 0 : i32
      %dma_wait3A_84 = tpu.memref_slice %arg4[%dma_wait3A_77, %dma_wait3A_83] : memref<2x32000xf32, #tpu.memory_space<vmem>> -> memref<1x32000xf32, #tpu.memory_space<vmem>>
      %dma_wait3A_85 = tpu.memref_squeeze %dma_wait3A_84 : memref<1x32000xf32, #tpu.memory_space<vmem>> -> memref<32000xf32, #tpu.memory_space<vmem>>
      %dma_wait3A_86 = arith.constant 0 : i32
      %dma_wait3A_87 = tpu.memref_slice %arg2[%dma_wait3A_86] : memref<65536000xf32, #tpu.memory_space<hbm>> -> memref<32000xf32, #tpu.memory_space<hbm>>
      tpu.wait_dma2 semaphore(%arg7 : memref<!tpu.dma_semaphore, #tpu.memory_space<semaphore_mem>>) src(%dma_wait3A_87 : memref<32000xf32, #tpu.memory_space<hbm>>) dst(%dma_wait3A_85 : memref<32000xf32, #tpu.memory_space<vmem>>)
      %broadcast_in_dim3A_88 = arith.constant 0.000000e+00 : f32
      %broadcast_in_dim3A_89 = vector.broadcast %broadcast_in_dim3A_88 : f32 to vector<16xf32>
      %scan3A_90 = arith.constant 0 : i32
      %scan3A_91 = arith.constant 250 : i32
      %scan3A_92 = arith.addi %scan3A_90, %scan3A_91 : i32
      %scan3A_93 = arith.constant 1 : i32
      %scan3A_94:8 = scf.for %scan3A_112 = %scan3A_90 to %scan3A_92 step %scan3A_93 iter_args(%scan3A_113 = %broadcast_in_dim3A_89, %scan3A_114 = %broadcast_in_dim3A_89, %scan3A_115 = %broadcast_in_dim3A_89, %scan3A_116 = %broadcast_in_dim3A_89, %scan3A_117 = %broadcast_in_dim3A_89, %scan3A_118 = %broadcast_in_dim3A_89, %scan3A_119 = %broadcast_in_dim3A_89, %scan3A_120 = %broadcast_in_dim3A_89) -> (vector<16xf32>, vector<16xf32>, vector<16xf32>, vector<16xf32>, vector<16xf32>, vector<16xf32>, vector<16xf32>, vector<16xf32>)  : i32 {
        %mul3A_121 = arith.constant 128 : i32
        %mul3A_122 = arith.muli %scan3A_112, %mul3A_121 : i32
        %add3A_123 = arith.constant 0 : i32
        %add3A_124 = arith.addi %mul3A_122, %add3A_123 : i32
        %get3A_125 = arith.constant 1 : i32
        %get3A_126 = arith.index_cast %get3A_125 : i32 to index
        %get3A_127 = arith.index_cast %add3A_124 : i32 to index
        %get3A_128 = tpu.vector_load %arg4[%get3A_126, %get3A_127] {strides = array<i32>} : memref<2x32000xf32, #tpu.memory_space<vmem>>, vector<1x16xf32>,
        %get3A_129 = vector.shape_cast %get3A_128 : vector<1x16xf32> to vector<16xf32>
        %add3A_130 = arith.addf %scan3A_113, %get3A_129 : vector<16xf32>
        %add3A_131 = arith.constant 16 : i32
        %add3A_132 = arith.addi %mul3A_122, %add3A_131 : i32
        %get3A_133 = arith.constant 1 : i32
        %get3A_134 = arith.index_cast %get3A_133 : i32 to index
        %get3A_135 = arith.index_cast %add3A_132 : i32 to index
        %get3A_136 = tpu.vector_load %arg4[%get3A_134, %get3A_135] {strides = array<i32>} : memref<2x32000xf32, #tpu.memory_space<vmem>>, vector<1x16xf32>,
        %get3A_137 = vector.shape_cast %get3A_136 : vector<1x16xf32> to vector<16xf32>
        %add3A_138 = arith.addf %scan3A_114, %get3A_137 : vector<16xf32>
        %add3A_139 = arith.constant 32 : i32
        %add3A_140 = arith.addi %mul3A_122, %add3A_139 : i32
        %get3A_141 = arith.constant 1 : i32
        %get3A_142 = arith.index_cast %get3A_141 : i32 to index
        %get3A_143 = arith.index_cast %add3A_140 : i32 to index
        %get3A_144 = tpu.vector_load %arg4[%get3A_142, %get3A_143] {strides = array<i32>} : memref<2x32000xf32, #tpu.memory_space<vmem>>, vector<1x16xf32>,
        %get3A_145 = vector.shape_cast %get3A_144 : vector<1x16xf32> to vector<16xf32>
        %add3A_146 = arith.addf %scan3A_115, %get3A_145 : vector<16xf32>
        %add3A_147 = arith.constant 48 : i32
        %add3A_148 = arith.addi %mul3A_122, %add3A_147 : i32
        %get3A_149 = arith.constant 1 : i32
        %get3A_150 = arith.index_cast %get3A_149 : i32 to index
        %get3A_151 = arith.index_cast %add3A_148 : i32 to index
        %get3A_152 = tpu.vector_load %arg4[%get3A_150, %get3A_151] {strides = array<i32>} : memref<2x32000xf32, #tpu.memory_space<vmem>>, vector<1x16xf32>,
        %get3A_153 = vector.shape_cast %get3A_152 : vector<1x16xf32> to vector<16xf32>
        %add3A_154 = arith.addf %scan3A_116, %get3A_153 : vector<16xf32>
        %add3A_155 = arith.constant 64 : i32
        %add3A_156 = arith.addi %mul3A_122, %add3A_155 : i32
        %get3A_157 = arith.constant 1 : i32
        %get3A_158 = arith.index_cast %get3A_157 : i32 to index
        %get3A_159 = arith.index_cast %add3A_156 : i32 to index
        %get3A_160 = tpu.vector_load %arg4[%get3A_158, %get3A_159] {strides = array<i32>} : memref<2x32000xf32, #tpu.memory_space<vmem>>, vector<1x16xf32>,
        %get3A_161 = vector.shape_cast %get3A_160 : vector<1x16xf32> to vector<16xf32>
        %add3A_162 = arith.addf %scan3A_117, %get3A_161 : vector<16xf32>
        %add3A_163 = arith.constant 80 : i32
        %add3A_164 = arith.addi %mul3A_122, %add3A_163 : i32
        %get3A_165 = arith.constant 1 : i32
        %get3A_166 = arith.index_cast %get3A_165 : i32 to index
        %get3A_167 = arith.index_cast %add3A_164 : i32 to index
        %get3A_168 = tpu.vector_load %arg4[%get3A_166, %get3A_167] {strides = array<i32>} : memref<2x32000xf32, #tpu.memory_space<vmem>>, vector<1x16xf32>,
        %get3A_169 = vector.shape_cast %get3A_168 : vector<1x16xf32> to vector<16xf32>
        %add3A_170 = arith.addf %scan3A_118, %get3A_169 : vector<16xf32>
        %add3A_171 = arith.constant 96 : i32
        %add3A_172 = arith.addi %mul3A_122, %add3A_171 : i32
        %get3A_173 = arith.constant 1 : i32
        %get3A_174 = arith.index_cast %get3A_173 : i32 to index
        %get3A_175 = arith.index_cast %add3A_172 : i32 to index
        %get3A_176 = tpu.vector_load %arg4[%get3A_174, %get3A_175] {strides = array<i32>} : memref<2x32000xf32, #tpu.memory_space<vmem>>, vector<1x16xf32>,
        %get3A_177 = vector.shape_cast %get3A_176 : vector<1x16xf32> to vector<16xf32>
        %add3A_178 = arith.addf %scan3A_119, %get3A_177 : vector<16xf32>
        %add3A_179 = arith.constant 112 : i32
        %add3A_180 = arith.addi %mul3A_122, %add3A_179 : i32
        %get3A_181 = arith.constant 1 : i32
        %get3A_182 = arith.index_cast %get3A_181 : i32 to index
        %get3A_183 = arith.index_cast %add3A_180 : i32 to index
        %get3A_184 = tpu.vector_load %arg4[%get3A_182, %get3A_183] {strides = array<i32>} : memref<2x32000xf32, #tpu.memory_space<vmem>>, vector<1x16xf32>,
        %get3A_185 = vector.shape_cast %get3A_184 : vector<1x16xf32> to vector<16xf32>
        %add3A_186 = arith.addf %scan3A_120, %get3A_185 : vector<16xf32>
        scf.yield %add3A_130, %add3A_138, %add3A_146, %add3A_154, %add3A_162, %add3A_170, %add3A_178, %add3A_186 : vector<16xf32>, vector<16xf32>, vector<16xf32>, vector<16xf32>, vector<16xf32>, vector<16xf32>, vector<16xf32>, vector<16xf32>
      }
      %scan3A_95 = arith.constant 250 : i32
      %get3A_96 = arith.constant 0 : index
      %get3A_97 = tpu.vector_load %arg5[%get3A_96] {strides = array<i32>} : memref<16xf32, #tpu.memory_space<vmem>>, vector<16xf32>,
      %get3A_98 = vector.shape_cast %get3A_97 : vector<16xf32> to vector<16xf32>
      %add3A_99 = arith.addf %scan3A_94#0, %scan3A_94#1 : vector<16xf32>
      %add3A_100 = arith.addf %add3A_99, %scan3A_94#2 : vector<16xf32>
      %add3A_101 = arith.addf %add3A_100, %scan3A_94#3 : vector<16xf32>
      %add3A_102 = arith.addf %add3A_101, %scan3A_94#4 : vector<16xf32>
      %add3A_103 = arith.addf %add3A_102, %scan3A_94#5 : vector<16xf32>
      %add3A_104 = arith.addf %add3A_103, %scan3A_94#6 : vector<16xf32>
      %add3A_105 = arith.addf %add3A_104, %scan3A_94#7 : vector<16xf32>
      %add3A_106 = arith.addf %get3A_98, %add3A_105 : vector<16xf32>
      %swap3A_107 = arith.constant 0 : index
      %swap3A_108 = tpu.vector_load %arg5[%swap3A_107] {strides = array<i32>} : memref<16xf32, #tpu.memory_space<vmem>>, vector<16xf32>,
      %swap3A_109 = vector.shape_cast %swap3A_108 : vector<16xf32> to vector<16xf32>
      %swap3A_110 = vector.shape_cast %add3A_106 : vector<16xf32> to vector<16xf32>
      tpu.vector_store %arg5[%swap3A_107], %swap3A_110 {strides = array<i32>} : memref<16xf32, #tpu.memory_space<vmem>>, vector<16xf32>,
      %scan3A_111 = arith.constant 0 : i32
      scf.yield %scan3A_111 : i32
    }
    %scan3A_22 = arith.constant 32 : i32
    "tpu.region"() ({
      %run_scoped3A = tpu.sem_alloc : memref<!tpu.dma_semaphore, #tpu.memory_space<semaphore_mem>>
      %dma_start3A_23 = arith.constant 0 : i32
      %dma_start3A_24 = tpu.memref_slice %arg3[%add3A, %dma_start3A_23] : memref<32x16xf32, #tpu.memory_space<hbm>> -> memref<1x16xf32, #tpu.memory_space<hbm>>
      %dma_start3A_25 = tpu.memref_squeeze %dma_start3A_24 : memref<1x16xf32, #tpu.memory_space<hbm>> -> memref<16xf32, #tpu.memory_space<hbm>>
      %dma_start3A_26 = arith.constant 0 : i32
      %dma_start3A_27 = tpu.memref_slice %arg3[%add3A, %dma_start3A_26] : memref<32x16xf32, #tpu.memory_space<hbm>> -> memref<1x16xf32, #tpu.memory_space<hbm>>
      %dma_start3A_28 = tpu.memref_squeeze %dma_start3A_27 : memref<1x16xf32, #tpu.memory_space<hbm>> -> memref<16xf32, #tpu.memory_space<hbm>>
      tpu.enqueue_dma source(%arg5 : memref<16xf32, #tpu.memory_space<vmem>>) target(%dma_start3A_28 : memref<16xf32, #tpu.memory_space<hbm>>) target_semaphore(%run_scoped3A : memref<!tpu.dma_semaphore, #tpu.memory_space<semaphore_mem>>)
      %dma_wait3A = arith.constant 0 : i32
      %dma_wait3A_29 = tpu.memref_slice %arg3[%add3A, %dma_wait3A] : memref<32x16xf32, #tpu.memory_space<hbm>> -> memref<1x16xf32, #tpu.memory_space<hbm>>
      %dma_wait3A_30 = tpu.memref_squeeze %dma_wait3A_29 : memref<1x16xf32, #tpu.memory_space<hbm>> -> memref<16xf32, #tpu.memory_space<hbm>>
      %dma_wait3A_31 = arith.constant 0 : i32
      %dma_wait3A_32 = tpu.memref_slice %arg3[%add3A, %dma_wait3A_31] : memref<32x16xf32, #tpu.memory_space<hbm>> -> memref<1x16xf32, #tpu.memory_space<hbm>>
      %dma_wait3A_33 = tpu.memref_squeeze %dma_wait3A_32 : memref<1x16xf32, #tpu.memory_space<hbm>> -> memref<16xf32, #tpu.memory_space<hbm>>
      tpu.wait_dma2 semaphore(%run_scoped3A : memref<!tpu.dma_semaphore, #tpu.memory_space<semaphore_mem>>) src(%arg5 : memref<16xf32, #tpu.memory_space<vmem>>) dst(%dma_wait3A_33 : memref<16xf32, #tpu.memory_space<hbm>>)
      tpu.yield
    }) : () -> ()
    return
  }
}

</mosaic_0001>

<sc_bundles>
// kernel: kernel.3.cloned.1.call-start
scs
__scs_entry_jumppad:
0x0: {  	(pc) =	sbr.rel $0x88, $3  }
0x1: {  	(tag) =	ssettag $0x0;
	lr =	simm.s32 $0x1  }
0x2: {  	[smem:$0x3FA0] =	sst lr;
	_ =	strace $0xD0000000  }
0x3: {  	_ = 	snop  }
0x4: {  	_ = 	snop  }
0x5: {  	_ = 	snop  }
0x6: {  	_ = 	snop  }
0x7: {  	_ = 	snop  }
__scs_overlays_trampoline_lowered:
0x8: {  	[smem:$0x3FAF] =	sst s0  }
0x9: {  	[smem:$0x3FB0] =	sst s1  }
0xa: {  	[smem:$0x3FB1] =	sst s2  }
0xb: {  	[smem:$0x3FB2] =	sst s3  }
0xc: {  	[smem:$0x3FB3] =	sst s4  }
0xd: {  	[smem:$0x3FB4] =	sst s5  }
0xe: {  	[smem:$0x3FB5] =	sst s6  }
0xf: {  	[smem:$0x3FB6] =	sst s7  }
0x10: {  	[smem:$0x3FB7] =	sst s8  }
0x11: {  	[smem:$0x3FB8] =	sst s9;
	s0 =	simm.s32 @!p0 $0x0  }
0x12: {  	s1 =	sld [smem:$0x3F9E];
	s0 =	simm.s32 @p0 $0x1  }
0x13: {  	[smem:$0x3FB9] =	sst s0;
	s0 =	simm.s32 @!p1 $0x0  }
0x14: {  	s2 =	sld [smem:$0x3F9D];
	s0 =	simm.s32 @p1 $0x1  }
0x15: {  	[smem:$0x3FBA] =	sst s0;
	s0 =	simm.s32 @!p2 $0x0  }
0x16: {  	s3 =	sld [smem:$0x3FDB];
	s0 =	simm.s32 @p2 $0x1  }
0x17: {  	s4 =	simm.s32 $0x1BF5;
	[smem:$0x3FBC] =	sst s0  }
0x18: {  	s0 =	sld [smem:$0x3F9F];
	_ =	swait.ge [sflag:s4], $0x0  }
0x19: {  	s7 =	sld [smem:$0x3FA0]  }
0x1a: {  	s8 =	sadd.s32 $0xFFFFE003, lr  }
0x1b: {  	s9 =	sadd.s32 $0xFFFFFEF7, lr;
	s5 =	simm.s32 $0xFFFFFFFF;
	p2 =	slt.u32 s8, $0xFFFFF086  }
0x1c: {  	p1 =	slt.u32 s9, $0xF7A;
	s5 =	simm.s32 @!p2 $0x0  }
0x1d: {  	s5 =	simm.s32 @p1 $0x1;
	p0 =	seq.s32 s7, s2  }
0x1e: {  	s7 =	smul.u32 @!p0 $0xF7A, s2;
	p2 =	seq.s32 @!p0 s5, $0x0  }
0x1f: {  	s9 =	smul.u32 $0xF7A, s1;
	s8 =	simm.s32 @!p0 $0x1BF5;
	p2 =	por !p2, p0  }
0x20: {  	[sflag:s8] =	ssyncset.s32 @!p0 $0xFFFFF086;
	s6 =	sadd.s32 @!p0 s3, s7;
	s7 =	simm.s32 @!p0 $0x108  }
0x21: {  	s3 =	sadd.s32 s3, s9;
	s6 =	sadd.s32 @!p0 $0x88, s6;
	s7 =	simm.s32 @p2 $0x1082  }
0x22: {  	[simem:s7], [sflag:s8] =	dma.local @!p0 [hbm:s6], $0xF7A  }
0x23: {  	s9 =	sor.u32 $0xD0000000, s2;
	s6 =	simm.s32 $0x108;
	_ =	swait.ge @!p0 [sflag:s8], $0x0  }
0x24: {  	s3 =	sadd.s32 $0x88, s3;
	s6 =	simm.s32 @!p1 $0x1082;
	[sflag:s4] =	ssyncset.s32 $0xFFFFF086  }
0x25: {  	[simem:s6], [sflag:s4] =	dma.local [hbm:s3], $0xF7A  }
0x26: {  	[smem:$0x3FA0] =	sst s1;
	(tag) =	ssettag s2;
	_ =	strace s9  }
0x27: {  	s1 =	sld [smem:$0x3FB0]  }
0x28: {  	s2 =	sld [smem:$0x3FB1]  }
0x29: {  	s4 =	sld [smem:$0x3FB3]  }
0x2a: {  	p0 =	seq.s32 s5, $0x0;
	s5 =	sld [smem:$0x3FB4]  }
0x2b: {  	s6 =	sld [smem:$0x3FB5]  }
0x2c: {  	s7 =	sld [smem:$0x3FB6]  }
0x2d: {  	s3 =	simm.s32 $0x108;
	s8 =	sld [smem:$0x3FB7]  }
0x2e: {  	s3 =	simm.s32 @!p0 $0x1082;
	s9 =	sld [smem:$0x3FB8]  }
0x2f: {  	lr =	sadd.s32 s0, s3;
	s0 =	sld [smem:$0x3FAF]  }
0x30: {  	s3 =	sld [smem:$0x3FB2]  }
0x31: {  	[smem:$0x3FBB] =	sst s10  }
0x32: {  	s10 =	sld [smem:$0x3FB9];
	_ =	sdelay $0x3  }
0x33: {  	p0 =	seq.s32 s10, $0x1;
	s10 =	sld [smem:$0x3FBB];
	_ =	sdelay $0x3  }
0x34: {  	[smem:$0x3FBB] =	sst s10  }
0x35: {  	s10 =	sld [smem:$0x3FBA];
	_ =	sdelay $0x3  }
0x36: {  	p1 =	seq.s32 s10, $0x1;
	s10 =	sld [smem:$0x3FBB];
	_ =	sdelay $0x3  }
0x37: {  	[smem:$0x3FBB] =	sst s10  }
0x38: {  	s10 =	sld [smem:$0x3FBC]  }
0x39: {  	_ = 	snop;
	(pc) =	sbr.ind lr, $3  }
0x3a: {  	_ = 	snop  }
0x3b: {  	_ = 	snop  }
0x3c: {  	p2 =	seq.s32 s10, $0x1;
	s10 =	sld [smem:$0x3FBB]  }
0x3d: {  	_ =	shalt  }
0x3e: {  	_ =	shalt  }
0x3f: {  	_ =	shalt  }
0x40: {  	_ =	shalt  }
0x41: {  	_ =	shalt  }
0x42: {  	_ =	shalt  }
0x43: {  	_ =	shalt  }
0x44: {  	_ =	shalt  }
0x45: {  	_ =	shalt  }
0x46: {  	_ =	shalt  }
0x47: {  	_ =	shalt  }
0x48: {  	_ =	shalt  }
0x49: {  	_ =	shalt  }
0x4a: {  	_ =	shalt  }
0x4b: {  	_ =	shalt  }
0x4c: {  	_ =	shalt  }
0x4d: {  	_ =	shalt  }
0x4e: {  	_ =	shalt  }
0x4f: {  	_ =	shalt  }
0x50: {  	_ =	shalt  }
0x51: {  	_ =	shalt  }
0x52: {  	_ =	shalt  }
0x53: {  	_ =	shalt  }
0x54: {  	_ =	shalt  }
0x55: {  	_ =	shalt  }
0x56: {  	_ =	shalt  }
0x57: {  	_ =	shalt  }
0x58: {  	_ =	shalt  }
0x59: {  	_ =	shalt  }
0x5a: {  	_ =	shalt  }
0x5b: {  	_ =	shalt  }
0x5c: {  	_ =	shalt  }
0x5d: {  	_ =	shalt  }
0x5e: {  	_ =	shalt  }
0x5f: {  	_ =	shalt  }
0x60: {  	_ =	shalt  }
0x61: {  	_ =	shalt  }
0x62: {  	_ =	shalt  }
0x63: {  	_ =	shalt  }
0x64: {  	_ =	shalt  }
0x65: {  	_ =	shalt  }
0x66: {  	_ =	shalt  }
0x67: {  	_ =	shalt  }
0x68: {  	_ =	shalt  }
0x69: {  	_ =	shalt  }
0x6a: {  	_ =	shalt  }
0x6b: {  	_ =	shalt  }
0x6c: {  	_ =	shalt  }
0x6d: {  	_ =	shalt  }
0x6e: {  	_ =	shalt  }
0x6f: {  	_ =	shalt  }
0x70: {  	_ =	shalt  }
0x71: {  	_ =	shalt  }
0x72: {  	_ =	shalt  }
0x73: {  	_ =	shalt  }
0x74: {  	_ =	shalt  }
0x75: {  	_ =	shalt  }
0x76: {  	_ =	shalt  }
0x77: {  	_ =	shalt  }
0x78: {  	_ =	shalt  }
0x79: {  	_ =	shalt  }
0x7a: {  	_ =	shalt  }
0x7b: {  	_ =	shalt  }
0x7c: {  	_ =	shalt  }
0x7d: {  	_ =	shalt  }
0x7e: {  	_ =	shalt  }
0x7f: {  	_ =	shalt  }
0x80: {  	_ =	shalt  }
0x81: {  	_ =	shalt  }
0x82: {  	_ =	shalt  }
0x83: {  	_ =	shalt  }
0x84: {  	_ =	shalt  }
0x85: {  	_ =	shalt  }
0x86: {  	_ =	shalt  }
0x87: {  	_ =	shalt  }
.Lfunc_end0:
.L_simem_size_0:
called_computation_lowered:
.L_overlay_start_0:
0x88: {  	s2 =	sld [smem:$0x3FD9]  }
0x89: {  	s3 =	sld [smem:$0x3FFE];
	_ =	sdelay $0x1  }
0x8a: {  	s1 =	srdreg.scid  }
0x8b: {  	s0 =	sand.u32 $0x1, s1  }
0x8c: {  	s16 =	sshll.u32 s0, $0xA;
	s2 =	sadd.s32 s3, s2  }
0x8d: {  	s2 =	sadd.s32 s2, s16  }
0x8e: {  	[smem:$0x3FC7] =	sst s2  }
0x8f: {  	_ = 	snop  }
0x90: {  	(tm) =	ssettm $0x1  }
0x91: {  	s17 =	sld [smem:$0x3FFB];
	_ =	sdelay $0x3  }
0x92: {  	_ =	strace s17  }
0x93: {  	s2 =	sld [smem:$0x3FFC];
	_ =	sdelay $0x3  }
0x94: {  	_ =	strace s2  }
0x95: {  	s2 =	sld [smem:$0x3FFD];
	_ =	sdelay $0x3  }
0x96: {  	_ =	strace s2  }
0x97: {  	_ =	strace $0x8FFFFFFF  }
0x98: {  	s18 =	sld [smem:$0x3FDB];
	_ =	sdelay $0x1  }
0x99: {  	s19 =	simm.s32 $_scs_section_size  }
0x9a: {  	s4 =	simm.s32 $_size__tile_overlayer_lowered;
	s5 =	simm.s32 $_tile_overlayer_lowered  }
0x9b: {  	s22 =	simm.s32 $0x1BFF;
	s21 =	sshll.u32 s5, $0x1;
	s2 =	sadd.s32 s19, s18  }
0x9c: {  	s6 =	simm.s32 $0x0;
	s20 =	sshll.u32 s4, $0x1;
	s4 =	sadd.s32 s21, s2  }
0x9d: {  	[timem:s6], [sflag:s22] =	dma.local [hbm:s4], s20  }
0x9e: {  	_ =	swait.ge [sflag:s22], s20  }
0x9f: {  	s3 =	ssub.s32 $0x0, s20;
	[sflag:s22] =	ssyncset.done $0x0  }
0xa0: {  	[sflag:s22] =	ssyncadd.s32 s3;
	_ =	sdelay $0x1  }
0xa1: {  	s23 =	simm.s32 $0x1B8B  }
0xa2: {  	_ =	swait.ge [sflag:s23], $0x1  }
0xa3: {  	[sflag:s23] =	ssyncset.done $0x0  }
0xa4: {  	s25 =	simm.s32 $0x1B8E;
	s24 =	sld [smem:$0x3FFE];
	[sflag:s23] =	ssyncadd.s32 $0xFFFFFFFF  }
0xa5: {  	s26 =	simm.s32 $execute0_lowered;
	[smem:$0x3FD2] =	sst s25  }
0xa6: {  	s4 =	sshll.u32 s26, $0x1;
	_ =	strace $0x80000046;
	[dreg:$0x1] =	wrdreg $0xFFFFFFFF  }
0xa7: {  	s28 =	simm.s32 $_size_execute0_lowered;
	s2 =	sadd.s32 s2, s4;
	[dreg:$0x0] =	wrdreg $0x0  }
0xa8: {  	s4 =	sshll.u32 s28, $0x1;
	[dreg:$0x2] =	wrdreg s2  }
0xa9: {  	[dreg:$0x3] =	wrdreg s4  }
0xaa: {  	[dreg:$0x4] =	wrdreg $0xC0  }
0xab: {  	_ =	task [dreg:s6], $0x5FFFF  }
0xac: {  	[dreg:$0x1] =	wrdreg $0xFFFFFFFF  }
0xad: {  	[dreg:$0x0] =	wrdreg $0x60  }
0xae: {  	[dreg:$0x2] =	wrdreg s24  }
0xaf: {  	[dreg:$0x3] =	wrdreg $0x9  }
0xb0: {  	_ =	task.clear_ibuf [dreg:s6], $0x4FFFF;
	_ =	strace $0x90000046  }
0xb1: {  	s29 =	simm.s32 $0x9;
	_ =	strace $0x80000048  }
0xb2: {  	_ =	swait.ge [sflag:s29], $0x1  }
0xb3: {  	[sflag:s29] =	ssyncadd.s32 $0xFFFFFFFF  }
0xb4: {  	_ =	strace $0x90000048  }
0xb5: {  	_ =	sfence  }
0xb6: {  	s30 =	sld [smem:$0x0];
	_ =	sdelay $0x2  }
0xb7: {  	s31 =	sshll.u32 s1, $0xD;
	s1 =	sshrl.u32 s1, $0x2  }
0xb8: {  	s3 =	sand.u32 $0x4000, s31;
	s1 =	sadd.s32 s1, s30  }
0xb9: {  	s0 =	sor.u32 s3, s0;
	s1 =	sshll.u32 s1, $0x11  }
0xba: {  	s0 =	sor.u32 s1, s0  }
0xbb: {  	s0 =	sadd.s32 $0x8F2B, s0  }
0xbc: {  	[sflag:s0] =	ssyncadd.remote.s32 $0x1  }
0xbd: {  	_ =	sfence.sel $0xFFFF  }
0xbe: {  	[dreg:$0x0] =	wrdreg $0xFFFFFFFF;
	(pc) =	sbr.abs _section_cstart, $3  }
0xbf: {  	[dreg:$0x1] =	wrdreg $0xFFFFFFFF  }
0xc0: {  	_ =	task.clear_ibuf [dreg:s6], $0x2FFFF;
	_ =	strace $0x9FFFFFFF  }
0xc1: {  	(tm) =	ssettm $0x7FFFFFFF  }
tec
execute0_lowered:
.L_overlay_start_1:
0x0: {  	(tag) =	ssettag $0x1  }
0x1: {  	s1 =	srdreg.scid  }
0x2: {  	s0 =	stileid.u32;
	s7 =	rddreg [dreg:$0x0]  }
0x3: {  	s2 =	simm.s32 $0x0;
	s10 =	simm.s32 $0x2;
	s11 =	simm.s32 $0xFA00  }
0x4: {  	s12 =	simm.s32 $0x3;
	s3 =	sand.u32 $0x1, s1;
	s1 =	rddreg [dreg:$0x1]  }
0x5: {  	s13 =	simm.s32 $0x0;
	s4 =	sshll.u32 s0, $0x1;
	[smem:$0x7FF] =	sst s2  }
0x6: {  	s5 =	sor.u32 s3, s4;
	_ =	strace $0x80000047;
	s30 =	ssub.s32 $0x2, s3  }
0x7: {  	s6 =	smul.u32 $0x1F4000, s5;
	s8 =	sshrl.u32 s30, $0x1;
	s31 =	sshll.u32 s5, $0x4  }
0x8: {  	s3 =	sadd.s32 $0x800000, s7;
	s8 =	ssub.s32 s30, s8;
	s7 =	sadd.s32 s7, s31  }
0x9: {  	s9 =	sshrl.u32 s6, $0x3;
	s5 =	sadd.s32 $0x7D00, s6;
	s6 =	sadd.s32 $0xFA00, s6  }
0xa: {  	v0 =	vimm.f32 $0.0e+00;
	s8 =	smax.u32 s8, $0x1;
	s4 =	sadd.s32 s3, s9;
	s9 =	simm.s32 $0x1  }
.LBB2_1:
0xb: {  	[tilespmem:$0xFA00] =	vst v0;
	s14 =	sadd.s32 $0x0, s4;
	s15 =	simm.s32 $0x10;
	s16 =	simm.s32 $0x0  }
0xc: {  	[tilespmem:s2], [sflag:$0x1] =	stream.linear.gather [hbm4b:s14+s2], $0x80, $0x38;
	[tilespmem:$0xFA80] =	vst v63  }
.LBB2_2:
0xd: {  	p0 =	sne.s32 s15, $0xF90  }
.Ltmp0:
0xe: {  	_ = 	snop;
	(pc) =	sbr.rel @p0 .LBB2_2-.Ltmp0, $4  }
0xf: {  	_ = 	snop  }
0x10: {  	s17 =	sadd.s32 s15, s4;
	s16 =	sadd.s32 $0x100, s16  }
0x11: {  	s14 =	simm.s32 $0x0;
	s15 =	sadd.s32 $0x10, s15  }
0x12: {  	[tilespmem:s16], [sflag:$0x1] =	stream.linear.gather [hbm4b:s17+s14], $0x80, $0x38;
	[tilespmem:$0xFA80] =	vst v63  }
.LBB2_3:
0x13: {  	s15 =	smul.u32 $0xFA00, s14;
	_ =	sdelay $0x1  }
0x14: {  	s16 =	sadd.s32 s15, s5  }
0x15: {  	s16 =	sshrl.u32 s16, $0x3  }
0x16: {  	s17 =	simm.s32 $0x80;
	s16 =	sadd.s32 s3, s16  }
0x17: {  	s18 =	simm.s32 $0x10;
	s19 =	simm.s32 $0x180;
	s20 =	sadd.s32 $0x0, s16  }
.LBB2_4:
0x18: {  	[tilespmem:s17], [sflag:$0x2] =	stream.linear.gather [hbm4b:s20+s2], $0x80, $0x38;
	[tilespmem:$0xFA80] =	vst v63  }
0x19: {  	s20 =	smov.u32 s18;
	s17 =	smov.u32 s19;
	p0 =	sne.s32 s18, $0xF90  }
.Ltmp1:
0x1a: {  	s18 =	sadd.s32 $0x10, s18;
	(pc) =	sbr.rel @p0 .LBB2_4-.Ltmp1, $2  }
0x1b: {  	_ =	sdelay $0x2  }
0x1c: {  	s19 =	sadd.s32 $0x100, s19;
	s20 =	sadd.s32 s20, s16  }
0x1d: {  	[tilespmem:s17], [sflag:$0x2] =	stream.linear.gather [hbm4b:s20+s2], $0x80, $0x38;
	[tilespmem:$0xFA80] =	vst v63  }
0x1e: {  	_ =	swait.ge [sflag:s9], $0x7D00  }
0x1f: {  	[sflag:s9] =	ssyncset.done $0x0  }
0x20: {  	s18 =	simm.s32 $0x0;
	[sflag:s9] =	ssyncadd.s32 $0xFFFF8300  }
0x21: {  	v1 =	vld [tilespmem:s18+$0x70]  }
0x22: {  	v2 =	vld [tilespmem:s18+$0x0]  }
0x23: {  	v4 =	vld [tilespmem:s18+$0x10]  }
0x24: {  	v13 =	vld [tilespmem:s18+$0x20]  }
0x25: {  	v12 =	vld [tilespmem:s18+$0x30]  }
0x26: {  	v3 =	vimm.f32 $0.0e+00;
	v9 =	vimm.f32 $0.0e+00;
	v5 =	vld [tilespmem:s18+$0x40]  }
0x27: {  	v10 =	vimm.f32 $0.0e+00;
	v6 =	vld [tilespmem:s18+$0x50];
	v1 =	vadd.f32 v1, v3;
	v8 =	vadd.f32 v2, v3  }
0x28: {  	s16 =	simm.s32 $0x100;
	s17 =	simm.s32 $0x800;
	v7 =	vld [tilespmem:s18+$0x60];
	v11 =	vadd.f32 v4, v3;
	v4 =	vimm.f32 $0.0e+00;
	v2 =	vimm.f32 $0.0e+00  }
.LBB2_6:
0x29: {  	p0 =	sne.s32 s17, $0x3E400;
	v14 =	vld [tilespmem:s16+$0x70];
	v3 =	vadd.f32 v13, v3  }
0x2a: {  	v15 =	vld [tilespmem:s16+$0x0];
	v9 =	vadd.f32 v12, v9  }
0x2b: {  	v16 =	vld [tilespmem:s16+$0x10];
	v10 =	vadd.f32 v5, v10  }
.Ltmp2:
0x2c: {  	v13 =	vld [tilespmem:s16+$0x20];
	v4 =	vadd.f32 v6, v4;
	(pc) =	sbr.rel @p0 .LBB2_6-.Ltmp2, $4  }
0x2d: {  	v12 =	vld [tilespmem:s16+$0x30];
	v2 =	vadd.f32 v7, v2  }
0x2e: {  	v5 =	vld [tilespmem:s16+$0x40];
	v1 =	vadd.f32 v14, v1  }
0x2f: {  	v8 =	vadd.f32 v15, v8;
	v6 =	vld [tilespmem:s16+$0x50]  }
0x30: {  	v11 =	vadd.f32 v16, v11;
	v7 =	vld [tilespmem:s16+$0x60];
	s16 =	sshra.s32 s17, $0x2;
	s17 =	sadd.s32 $0x400, s17  }
0x31: {  	v14 =	vld [tilespmem:s16+$0x0]  }
0x32: {  	v15 =	vld [tilespmem:s16+$0x10];
	_ =	sdelay $0x1  }
0x33: {  	v16 =	vld [tilespmem:s16+$0x20];
	_ =	sdelay $0x1  }
0x34: {  	v3 =	vadd.f32 v13, v3;
	v58 =	vld [tilespmem:s16+$0x30]  }
0x35: {  	v8 =	vadd.f32 v14, v8;
	v11 =	vadd.f32 v15, v11  }
0x36: {  	v59 =	vld [tilespmem:s16+$0x40];
	v9 =	vadd.f32 v12, v9  }
0x37: {  	v3 =	vadd.f32 v16, v3;
	v8 =	vadd.f32 v11, v8  }
0x38: {  	v60 =	vld [tilespmem:s16+$0x50];
	v5 =	vadd.f32 v5, v10  }
0x39: {  	v9 =	vadd.f32 v58, v9;
	v3 =	vadd.f32 v3, v8  }
0x3a: {  	v61 =	vld [tilespmem:s16+$0x60];
	v4 =	vadd.f32 v6, v4  }
0x3b: {  	v5 =	vadd.f32 v59, v5;
	v3 =	vadd.f32 v9, v3  }
0x3c: {  	v62 =	vld [tilespmem:s16+$0x70];
	v2 =	vadd.f32 v7, v2  }
0x3d: {  	v4 =	vadd.f32 v60, v4;
	v3 =	vadd.f32 v5, v3;
	_ =	sdelay $0x1  }
0x3e: {  	v2 =	vadd.f32 v61, v2;
	v3 =	vadd.f32 v4, v3  }
0x3f: {  	v63 =	vld [tilespmem:$0xFA00]  }
0x40: {  	v1 =	vadd.f32 v62, v1;
	v2 =	vadd.f32 v2, v3  }
0x41: {  	p0 =	seq.s32 s14, $0x1F  }
.Ltmp3:
0x42: {  	v1 =	vadd.f32 v1, v2;
	(pc) =	sbr.rel @p0 .LBB2_11-.Ltmp3, $3  }
0x43: {  	_ = 	snop  }
0x44: {  	v1 =	vadd.f32 v63, v1;
	_ =	sdelay $0x1  }
0x45: {  	[tilespmem:$0xFA00] =	vst v1  }
0x46: {  	s15 =	sadd.s32 s15, s6  }
0x47: {  	s15 =	sshrl.u32 s15, $0x3  }
0x48: {  	s16 =	simm.s32 $0x0;
	s15 =	sadd.s32 s3, s15  }
0x49: {  	s17 =	simm.s32 $0x10;
	s18 =	simm.s32 $0x100;
	s19 =	sadd.s32 $0x0, s15  }
.LBB2_9:
0x4a: {  	[tilespmem:s16], [sflag:$0x1] =	stream.linear.gather [hbm4b:s19+s2], $0x80, $0x38;
	[tilespmem:$0xFA80] =	vst v63  }
0x4b: {  	s19 =	smov.u32 s17;
	s16 =	smov.u32 s18;
	p0 =	sne.s32 s17, $0xF90  }
.Ltmp4:
0x4c: {  	s17 =	sadd.s32 $0x10, s17;
	(pc) =	sbr.rel @p0 .LBB2_9-.Ltmp4, $2  }
0x4d: {  	_ =	sdelay $0x2  }
0x4e: {  	s18 =	sadd.s32 $0x100, s18;
	s19 =	sadd.s32 s19, s15  }
0x4f: {  	[tilespmem:s16], [sflag:$0x1] =	stream.linear.gather [hbm4b:s19+s2], $0x80, $0x38;
	[tilespmem:$0xFA80] =	vst v63  }
.LBB2_11:
0x50: {  	_ =	swait.ge [sflag:s10], $0x7D00  }
0x51: {  	[sflag:s10] =	ssyncset.done $0x0  }
0x52: {  	s17 =	simm.s32 $0x0;
	[sflag:s10] =	ssyncadd.s32 $0xFFFF8300  }
0x53: {  	v1 =	vld [tilespmem:s17+$0xF0]  }
0x54: {  	v2 =	vld [tilespmem:s17+$0x80]  }
0x55: {  	v4 =	vld [tilespmem:s17+$0x90]  }
0x56: {  	v13 =	vld [tilespmem:s17+$0xA0]  }
0x57: {  	v12 =	vld [tilespmem:s17+$0xB0]  }
0x58: {  	v3 =	vimm.f32 $0.0e+00;
	v8 =	vimm.f32 $0.0e+00;
	v5 =	vld [tilespmem:s17+$0xC0]  }
0x59: {  	v11 =	vimm.f32 $0.0e+00;
	v6 =	vld [tilespmem:s17+$0xD0];
	v1 =	vadd.f32 v1, v3;
	v7 =	vadd.f32 v2, v3  }
0x5a: {  	s14 =	sadd.s32 $0x1, s14;
	s15 =	simm.s32 $0x100;
	s16 =	simm.s32 $0x800;
	v9 =	vld [tilespmem:s17+$0xE0];
	v10 =	vadd.f32 v4, v3;
	v4 =	vimm.f32 $0.0e+00;
	v2 =	vimm.f32 $0.0e+00  }
.LBB2_12:
0x5b: {  	p0 =	sne.s32 s16, $0x3E400;
	v14 =	vld [tilespmem:s15+$0xF0];
	v3 =	vadd.f32 v13, v3  }
0x5c: {  	v15 =	vld [tilespmem:s15+$0x80];
	v8 =	vadd.f32 v12, v8  }
0x5d: {  	v16 =	vld [tilespmem:s15+$0x90];
	v11 =	vadd.f32 v5, v11  }
.Ltmp5:
0x5e: {  	v13 =	vld [tilespmem:s15+$0xA0];
	v4 =	vadd.f32 v6, v4;
	(pc) =	sbr.rel @p0 .LBB2_12-.Ltmp5, $4  }
0x5f: {  	v12 =	vld [tilespmem:s15+$0xB0];
	v2 =	vadd.f32 v9, v2  }
0x60: {  	v5 =	vld [tilespmem:s15+$0xC0];
	v1 =	vadd.f32 v14, v1  }
0x61: {  	v7 =	vadd.f32 v15, v7;
	v6 =	vld [tilespmem:s15+$0xD0]  }
0x62: {  	v10 =	vadd.f32 v16, v10;
	v9 =	vld [tilespmem:s15+$0xE0];
	s15 =	sshra.s32 s16, $0x2;
	s16 =	sadd.s32 $0x400, s16  }
0x63: {  	v14 =	vld [tilespmem:s15+$0x80]  }
0x64: {  	v15 =	vld [tilespmem:s15+$0x90];
	_ =	sdelay $0x1  }
0x65: {  	v16 =	vld [tilespmem:s15+$0xA0];
	_ =	sdelay $0x1  }
0x66: {  	v3 =	vadd.f32 v13, v3;
	v58 =	vld [tilespmem:s15+$0xB0]  }
0x67: {  	v7 =	vadd.f32 v14, v7;
	v10 =	vadd.f32 v15, v10  }
0x68: {  	v59 =	vld [tilespmem:s15+$0xC0];
	v8 =	vadd.f32 v12, v8  }
0x69: {  	v3 =	vadd.f32 v16, v3;
	v7 =	vadd.f32 v10, v7  }
0x6a: {  	v60 =	vld [tilespmem:s15+$0xD0];
	v5 =	vadd.f32 v5, v11  }
0x6b: {  	v8 =	vadd.f32 v58, v8;
	v3 =	vadd.f32 v3, v7  }
0x6c: {  	v61 =	vld [tilespmem:s15+$0xE0];
	v4 =	vadd.f32 v6, v4  }
0x6d: {  	v5 =	vadd.f32 v59, v5;
	v3 =	vadd.f32 v8, v3  }
0x6e: {  	v62 =	vld [tilespmem:s15+$0xF0];
	v2 =	vadd.f32 v9, v2  }
0x6f: {  	v4 =	vadd.f32 v60, v4;
	v3 =	vadd.f32 v5, v3;
	_ =	sdelay $0x1  }
0x70: {  	v2 =	vadd.f32 v61, v2;
	v3 =	vadd.f32 v4, v3  }
0x71: {  	v63 =	vld [tilespmem:$0xFA00]  }
0x72: {  	v1 =	vadd.f32 v62, v1;
	v2 =	vadd.f32 v2, v3  }
0x73: {  	p0 =	sne.s32 s14, $0x20  }
.Ltmp6:
0x74: {  	v1 =	vadd.f32 v1, v2;
	(pc) =	sbr.rel @p0 .LBB2_3-.Ltmp6, $3  }
0x75: {  	_ = 	snop  }
0x76: {  	v1 =	vadd.f32 v63, v1;
	_ =	sdelay $0x1  }
0x77: {  	[tilespmem:$0xFA00] =	vst v1  }
0x78: {  	s13 =	sadd.s32 $0x1, s13  }
0x79: {  	p0 =	sne.s32 s13, s8  }
.Ltmp7:
0x7a: {  	_ = 	snop;
	(pc) =	sbr.rel @p0 .LBB2_1-.Ltmp7, $4  }
0x7b: {  	[hbm4b:s7+s2] =	stream.linear.scatter [tilespmem:s11], [sflag:$0x3], $0x80, $0x38;
	[tilespmem:$0xFA80] =	vst v63  }
0x7c: {  	_ =	swait.ge [sflag:s12], $0x80  }
0x7d: {  	[sflag:s12] =	ssyncset.done $0x0  }
0x7e: {  	[sflag:s12] =	ssyncadd.s32 $0xFFFFFF80  }
0x7f: {  	_ =	sfence.sel $0x180000  }
0x80: {  	[bflag:$0x0] =	sbarrier.arrive $0xFFFF  }
0x81: {  	p0 =	sne.s32 s0, $0x0;
	_ =	strace $0x90000047  }
0x82: {  	s0 =	sadd.s32 @!p0 $0x100000, s1;
	[bflag:$0x2] =	sbarrier.arrive $0xFFFF  }
0x83: {  	[sflag:s0] =	ssyncadd.tile.s32 @!p0 $0x1;
	_ =	shalt  }
.Lfunc_end2:
_tile_overlayer_lowered:
.L_overlay_start_2:
0x84: {  	(tag) =	ssettag $0x2  }
0x85: {  	s0 =	rddreg [dreg:$0x0];
	s2 =	stileid.u32  }
0x86: {  	s1 =	rddreg [dreg:$0x1];
	p0 =	sne.s32 s2, $0x0  }
0x87: {  	s3 =	rddreg [dreg:$0x2];
	[bflag:$0x3] =	sbarrier.arrive $0xFFFF;
	s2 =	simm.s32 @!p0 $0x1C03  }
0x88: {  	[timem:s3], [sflag:s2] =	dma.local @!p0 [hbm:s0], s1  }
0x89: {  	s0 =	simm.s32 @!p0 $0x3  }
0x8a: {  	_ =	swait.ge @!p0 [sflag:s0], s1  }
0x8b: {  	s1 =	ssub.s32 @!p0 $0x0, s1;
	[sflag:s0] =	ssyncset.done @!p0 $0x0  }
0x8c: {  	[sflag:s0] =	ssyncadd.s32 @!p0 s1  }
0x8d: {  	[bflag:$0x3] =	sbarrier.arrive $0xFFFF  }
0x8e: {  	_ =	shalt  }

</sc_bundles>
